<compile_context>
chip_gen: v7x
topology: tpu7x:2x2x1
jax: 0.10.2.dev20260603
libtpu: 0.0.44.dev20260713+nightly
codegen_flags: <defaults>
</compile_context>

<pallas_src>
import functools

import jax
import jax.numpy as jnp
from jax import lax
from jax.experimental import pallas as pl
from jax.experimental.pallas import tpu as pltpu
from jax.experimental.pallas import tpu_sc as plsc

TOT = 1.0e6
EPS = 1e-10
D = 128
M = 128
K = 32

NC = 2
NS = 16
NW = NC * NS
CH = 128


@functools.partial(jax.jit, static_argnames=("width",))
def _sc_gather(table, idx, width):
    n = idx.shape[0]
    per_w = n // NW
    nch = per_w // CH
    idx3 = idx.reshape(NW, nch, CH)
    mesh = plsc.VectorSubcoreMesh(core_axis_name="c", subcore_axis_name="s")

    @functools.partial(
        pl.kernel,
        out_type=jax.ShapeDtypeStruct((n, width), jnp.float32),
        mesh=mesh,
        scratch_types=[
            pltpu.VMEM((nch, CH), jnp.int32),
            pltpu.VMEM((CH, width), jnp.float32),
            pltpu.VMEM((CH, width), jnp.float32),
            pltpu.SemaphoreType.DMA,
            pltpu.SemaphoreType.DMA,
        ],
    )
    def k(table_hbm, idx_hbm, out_hbm, idx_v, buf0, buf1, sem0, sem1):
        wid = lax.axis_index("s") * NC + lax.axis_index("c")
        base = wid * per_w
        pltpu.sync_copy(idx_hbm.at[wid], idx_v)
        bufs = (buf0, buf1)
        sems = (sem0, sem1)
        pltpu.async_copy(table_hbm.at[idx_v.at[0]], buf0, sem0)

        def loop_body(j2, carry):
            for par in range(2):
                j = j2 * 2 + par

                @pl.when(j < nch)
                def _():
                    nxt = j + 1

                    @pl.when(nxt < nch)
                    def _():
                        pltpu.async_copy(
                            table_hbm.at[idx_v.at[nxt]],
                            bufs[(par + 1) % 2], sems[(par + 1) % 2])

                    pltpu.make_async_copy(
                        table_hbm.at[idx_v.at[j]], bufs[par], sems[par]).wait()
                    pltpu.sync_copy(
                        bufs[par], out_hbm.at[pl.ds(base + j * CH, CH)])
            return carry

        lax.fori_loop(0, (nch + 1) // 2, loop_body, 0)

    return k(table, idx3)


RANGE = 3200
PADT = 102400
WPAD = 102400
N1 = 100001


def _sc_scatter(table_in, vals, nf, pol):
    n_e = nf.shape[0]
    width = table_in.shape[1]
    if table_in.shape[0] < PADT:
        table_in = jnp.concatenate(
            [table_in,
             jnp.zeros((PADT - table_in.shape[0], width), jnp.float32)])
    combined = jnp.concatenate([table_in, vals])
    enc = ((jnp.arange(n_e, dtype=jnp.int32) + 1) << 1) | pol
    win = jnp.zeros((WPAD,), jnp.int32).at[nf].max(enc)
    mesh = plsc.VectorSubcoreMesh(core_axis_name="c", subcore_axis_name="s")
    LBUF = 6
    NCHP = RANGE // CH

    @functools.partial(
        pl.kernel,
        out_type=jax.ShapeDtypeStruct((PADT, width), jnp.float32),
        mesh=mesh,
        scratch_types=[
            pltpu.VMEM((RANGE,), jnp.int32),
            pltpu.VMEM((NCHP, CH), jnp.int32),
            pltpu.VMEM((CH, 128), jnp.float32),
            pltpu.VMEM((CH, 128), jnp.float32),
            pltpu.VMEM((CH, 128), jnp.float32),
            pltpu.VMEM((CH, 128), jnp.float32),
            pltpu.VMEM((CH, 128), jnp.float32),
            pltpu.VMEM((CH, 128), jnp.float32),
            pltpu.SemaphoreType.DMA,
        ],
    )
    def k(comb_h, win_h, tout, winbuf, idx2, rb0, rb1, rb2, rb3, rb4, rb5,
          semg):
        wid = lax.axis_index("s") * NC + lax.axis_index("c")
        lo = wid * RANGE
        iota = lax.iota(jnp.int32, 16)
        rbs = (rb0, rb1, rb2, rb3, rb4, rb5)

        pltpu.sync_copy(win_h.at[pl.ds(lo, RANGE)], winbuf)
        for r in range(NCHP):
            for c in range(CH // 16):
                off = r * CH + c * 16
                e = winbuf[pl.ds(off, 16)]
                nvec = lo + off + iota
                sel = ((e & 1) == 1) & (e > 0) & (nvec < N1)
                srcrow = PADT + jnp.maximum((e >> 1) - 1, 0)
                idx2[r, pl.ds(c * 16, 16)] = jnp.where(sel, srcrow, nvec)

        gh = [None] * NCHP
        for r in range(min(LBUF, NCHP)):
            gh[r] = pltpu.async_copy(comb_h.at[idx2.at[r]], rbs[r % LBUF],
                                     semg)
        for r in range(NCHP):
            gh[r].wait()
            pltpu.sync_copy(rbs[r % LBUF],
                            tout.at[pl.ds(lo + r * CH, CH)])
            if r + LBUF < NCHP:
                gh[r + LBUF] = pltpu.async_copy(
                    comb_h.at[idx2.at[r + LBUF]], rbs[(r + LBUF) % LBUF],
                    semg)

    return k(combined, win)


def _phi(t, times):
    delta = (t[:, None] - times) / TOT
    p = 1.0 / (1.0 + delta)
    return jnp.where(jnp.isinf(delta), jnp.zeros_like(p), p)


def _seg_matrix(rows, bb):
    ri = jax.lax.broadcasted_iota(jnp.int32, (rows, bb), 0)
    bi = jax.lax.broadcasted_iota(jnp.int32, (rows, bb), 1)
    return (ri // K == bi).astype(jnp.float32)


def _attn_body(ne_ref, pi_ref, pd_ref, c_ref, v123_ref, wg_ref, msg_ref):
    rows, bb = ne_ref.shape[0], c_ref.shape[0]
    h2 = _seg_matrix(rows, bb)
    ne = ne_ref[...]
    pi = pi_ref[...]
    pd = pd_ref[...]
    s = jnp.dot(ne, v123_ref[...], preferred_element_type=jnp.float32,
                 precision=lax.Precision.HIGHEST)
    c1 = jnp.dot(c_ref[...], v123_ref[...],
                 preferred_element_type=jnp.float32,
                 precision=lax.Precision.HIGHEST)[:, 0:1]
    c1_rows = jnp.dot(h2, c1, preferred_element_type=jnp.float32,
                 precision=lax.Precision.HIGHEST)
    logit = c1_rows + pi * s[:, 1:2] - pd * s[:, 2:3]
    logit = jnp.where(logit > 0, logit, 0.2 * logit)
    segmean = jnp.dot(h2, jnp.dot(h2.T, logit,
                                  preferred_element_type=jnp.float32,
                 precision=lax.Precision.HIGHEST),
                      preferred_element_type=jnp.float32,
                 precision=lax.Precision.HIGHEST) * (1.0 / K)
    e = jnp.exp(logit - segmean)
    denom = jnp.dot(h2, jnp.dot(h2.T, e, preferred_element_type=jnp.float32,
                 precision=lax.Precision.HIGHEST),
                    preferred_element_type=jnp.float32,
                 precision=lax.Precision.HIGHEST)
    att = e / denom
    wi = att * pi
    wd = att * pd
    r_ins = jnp.dot(h2.T, wi * ne, preferred_element_type=jnp.float32,
                 precision=lax.Precision.HIGHEST)
    r_del = jnp.dot(h2.T, wd * ne, preferred_element_type=jnp.float32,
                 precision=lax.Precision.HIGHEST)
    wg = wg_ref[...]
    msg_ref[...] = jnp.concatenate(
        [jnp.dot(r_ins, wg, preferred_element_type=jnp.float32,
                 precision=lax.Precision.HIGHEST),
         -jnp.dot(r_del, wg, preferred_element_type=jnp.float32,
                 precision=lax.Precision.HIGHEST)], axis=1)


def _attn_stage(ne, pi_col, pd_col, c, v123, W_g):
    B = c.shape[0]
    BB = 32
    RB = BB * K
    grid = (B // BB,)
    row = lambda i: (i, 0)
    full = lambda i: (0, 0)
    return pl.pallas_call(
        _attn_body,
        grid=grid,
        in_specs=[
            pl.BlockSpec((RB, D), row),
            pl.BlockSpec((RB, 1), row),
            pl.BlockSpec((RB, 1), row),
            pl.BlockSpec((BB, D), row),
            pl.BlockSpec((D, 3), full),
            pl.BlockSpec((D, D), full),
        ],
        out_specs=pl.BlockSpec((BB, 2 * M), row),
        out_shape=jax.ShapeDtypeStruct((B, 2 * M), jnp.float32),
    )(ne, pi_col, pd_col, c, v123, W_g)


def _dense_body(cs_ref, cd_ref, ms_ref, md_ref, er_ref, we_ref,
                wuc_c_ref, wuc_h_ref, wp_ref, wunb_ref,
                ups_ref, upd_ref, h1_ref, u2_ref):
    he = jax.nn.relu(jnp.dot(er_ref[...], we_ref[...],
                             preferred_element_type=jnp.float32,
                 precision=lax.Precision.HIGHEST))
    h = jnp.concatenate(
        [jax.nn.relu(ms_ref[...]), jax.nn.relu(md_ref[...]), he], axis=1)
    t = jnp.dot(h, wuc_h_ref[...], preferred_element_type=jnp.float32,
                 precision=lax.Precision.HIGHEST)
    wuc_c = wuc_c_ref[...]
    ups_ref[...] = jnp.tanh(
        jnp.dot(cs_ref[...], wuc_c, preferred_element_type=jnp.float32,
                 precision=lax.Precision.HIGHEST) + t)
    upd_ref[...] = jnp.tanh(
        jnp.dot(cd_ref[...], wuc_c, preferred_element_type=jnp.float32,
                 precision=lax.Precision.HIGHEST) + t)
    h1 = jnp.dot(h, wp_ref[...], preferred_element_type=jnp.float32,
                 precision=lax.Precision.HIGHEST)
    h1_ref[...] = h1
    u2_ref[...] = jnp.dot(h1, wunb_ref[...], preferred_element_type=jnp.float32,
                 precision=lax.Precision.HIGHEST)


def _dense_stage(c_src, c_dst, msg_src, msg_dst, e_rows, W_e, W_uc, W_p,
                 W_unb):
    B = c_src.shape[0]
    BB = 512
    grid = (B // BB,)
    row = lambda i: (i, 0)
    full = lambda i: (0, 0)
    out_sd = jax.ShapeDtypeStruct((B, D), jnp.float32)
    return pl.pallas_call(
        _dense_body,
        grid=grid,
        in_specs=[
            pl.BlockSpec((BB, D), row),
            pl.BlockSpec((BB, D), row),
            pl.BlockSpec((BB, 2 * M), row),
            pl.BlockSpec((BB, 2 * M), row),
            pl.BlockSpec((BB, 16), row),
            pl.BlockSpec((16, 4 * M), full),
            pl.BlockSpec((D, D), full),
            pl.BlockSpec((8 * M, D), full),
            pl.BlockSpec((8 * M, D), full),
            pl.BlockSpec((D, D), full),
        ],
        out_specs=[pl.BlockSpec((BB, D), row)] * 4,
        out_shape=[out_sd] * 4,
    )(c_src, c_dst, msg_src, msg_dst, e_rows, W_e, W_uc[:D], W_uc[D:], W_p,
      W_unb)


def _loop_body(cur_ref, att_ref, u2_ref, fl_ref,
               wuna_ref, wunc_ref, ch_ref):
    rows, bb = cur_ref.shape[0], u2_ref.shape[0]
    h2 = _seg_matrix(rows, bb)
    cur = cur_ref[...]
    att = att_ref[...]
    z2 = jnp.dot(cur, wuna_ref[...], preferred_element_type=jnp.float32,
                 precision=lax.Precision.HIGHEST)
    u2_rows = jnp.dot(h2, u2_ref[...], preferred_element_type=jnp.float32,
                 precision=lax.Precision.HIGHEST)
    fl_rows = jnp.dot(h2, fl_ref[...], preferred_element_type=jnp.float32,
                 precision=lax.Precision.HIGHEST)
    ch_ref[...] = jax.nn.relu(att * u2_rows + z2 + fl_rows * wunc_ref[...])


def _loop_stage(cur, att_col, u2, flags_col, Wuna, wunc_row):
    B = u2.shape[0]
    BB = 32
    RB = BB * K
    grid = (B // BB,)
    row = lambda i: (i, 0)
    full = lambda i: (0, 0)
    return pl.pallas_call(
        _loop_body,
        grid=grid,
        in_specs=[
            pl.BlockSpec((RB, D), row),
            pl.BlockSpec((RB, 1), row),
            pl.BlockSpec((BB, D), row),
            pl.BlockSpec((BB, 1), row),
            pl.BlockSpec((D, D), full),
            pl.BlockSpec((1, D), full),
        ],
        out_specs=pl.BlockSpec((RB, D), row),
        out_shape=jax.ShapeDtypeStruct((B * K, D), jnp.float32),
    )(cur, att_col, u2, flags_col, Wuna, wunc_row)


def kernel(src_idxs, dst_idxs, neg_src_idxs, neg_dst_idxs, edge_idxs,
           timestamps, flags, nbrs_src, ins_src, del_src, nbrs_dst, ins_dst,
           del_dst, upd_nbrs_src, upd_ins_src, upd_del_src, upd_nbrs_dst,
           upd_ins_dst, upd_del_dst, memory_emb, edge_feat, W_g, a, W_e,
           W_uc, W_un, W_p, W_1, W_2):
    B = src_idxs.shape[0]
    KU = upd_nbrs_src.shape[1]
    N1 = memory_emb.shape[0]

    v123 = jnp.matmul(W_g, a.reshape(3, M).T,
                      precision=lax.Precision.HIGHEST)

    idx_all = jnp.concatenate([nbrs_src.reshape(-1), nbrs_dst.reshape(-1),
                               src_idxs, dst_idxs])
    rows_all = _sc_gather(memory_emb, idx_all, D)
    ne_src = rows_all[:B * K]
    ne_dst = rows_all[B * K:2 * B * K]
    c_src = rows_all[2 * B * K:2 * B * K + B]
    c_dst = rows_all[2 * B * K + B:]

    msgs = []
    for c, ne, ins_t, del_t in ((c_src, ne_src, ins_src, del_src),
                                (c_dst, ne_dst, ins_dst, del_dst)):
        pi = _phi(timestamps, ins_t).reshape(-1, 1)
        pd = _phi(timestamps, del_t).reshape(-1, 1)
        msgs.append(_attn_stage(ne, pi, pd, c, v123, W_g))

    e_rows = edge_feat[edge_idxs]
    up_s, up_d, h1, u2 = _dense_stage(
        c_src, c_dst, msgs[0], msgs[1], e_rows, W_e, W_uc, W_p,
        W_un[D:2 * D])

    allidx = jnp.concatenate([src_idxs, dst_idxs])
    vals = jnp.concatenate([up_s, up_d], axis=0)
    mem = _sc_scatter(memory_emb, vals, allidx,
                      jnp.ones((2 * B,), jnp.int32))

    wunc_row = W_un[2 * D].reshape(1, D)
    flags_col = flags.reshape(-1, 1)

    for nbrs, ins_t, del_t in ((upd_nbrs_src, upd_ins_src, upd_del_src),
                               (upd_nbrs_dst, upd_ins_dst, upd_del_dst)):
        nf = nbrs.reshape(-1)
        cur = _sc_gather(mem, nf, D)
        pi = _phi(timestamps, ins_t)
        pd = _phi(timestamps, del_t)
        ne3 = cur.reshape(B, KU, D)
        h1b = jnp.broadcast_to(h1[:, None, :], ne3.shape)
        score = ((h1b * (pi[..., None] * ne3)).sum(axis=2)
                 + (h1b * (-pd[..., None] * ne3)).sum(axis=2) + EPS)
        att = jax.nn.softmax(score, axis=1)
        changed = h1b * att[..., None]
        flag3 = jnp.broadcast_to(flags[:, None, None], (B, KU, 1))
        x = jnp.concatenate([changed, ne3, flag3], axis=2)
        pre = jax.nn.relu(x @ W_1)
        pol = (pre @ W_2)[..., 0].reshape(-1) >= 0.0

        changed2 = _loop_stage(cur, att.reshape(-1, 1), u2, flags_col,
                               W_un[:D], wunc_row)
        mem = _sc_scatter(mem, changed2, nf, pol.astype(jnp.int32))
    return mem[:memory_emb.shape[0]]

# --- scband reference (transcript-rebuilt; emitter-appended) ---
"""Pipeline reference for scband-dada-dy-gnn-19370302505376 (READ-ONLY COPY).

The authoritative reference and input builder live on the scoring server;
editing this copy changes nothing except your own understanding.
"""

import jax, jax.numpy as jnp
import numpy as np

N_NODES = 100000
B = 4096
K = 32
KU = 32
D = 128
M = 128
N_EDGES = 1600000
ED = 16
TOT = 1.0e6
EPS = 1e-10


def setup_inputs():
    ks = jax.random.split(jax.random.key(0), 32)
    f = lambda i, s: jax.random.normal(ks[i], s, dtype=jnp.float32)
    u = lambda i, s: jax.random.uniform(ks[i], s, dtype=jnp.float32)
    ri = lambda i, s, hi: jax.random.randint(ks[i], s, 0, hi, dtype=jnp.int32)
    sc = lambda fan: 1.0 / np.sqrt(fan)
    inp = {}
    inp['src_idxs'] = ri(0, (B,), N_NODES)
    inp['dst_idxs'] = ri(1, (B,), N_NODES)
    inp['neg_src_idxs'] = ri(2, (B,), N_NODES)
    inp['neg_dst_idxs'] = ri(3, (B,), N_NODES)
    inp['edge_idxs'] = ri(4, (B,), N_EDGES)
    inp['timestamps'] = TOT * (0.5 + 0.5 * u(5, (B,)))
    inp['flags'] = jnp.where(u(6, (B,)) < 0.5, -1.0, 1.0).astype(jnp.float32)
    inp['nbrs_src'] = ri(7, (B, K), N_NODES)
    inp['ins_src'] = TOT * 0.5 * u(8, (B, K))
    inp['del_src'] = TOT * 0.5 * u(9, (B, K))
    inp['nbrs_dst'] = ri(10, (B, K), N_NODES)
    inp['ins_dst'] = TOT * 0.5 * u(11, (B, K))
    inp['del_dst'] = TOT * 0.5 * u(12, (B, K))
    inp['upd_nbrs_src'] = ri(13, (B, KU), N_NODES)
    inp['upd_ins_src'] = TOT * 0.5 * u(14, (B, KU))
    inp['upd_del_src'] = TOT * 0.5 * u(15, (B, KU))
    inp['upd_nbrs_dst'] = ri(16, (B, KU), N_NODES)
    inp['upd_ins_dst'] = TOT * 0.5 * u(17, (B, KU))
    inp['upd_del_dst'] = TOT * 0.5 * u(18, (B, KU))
    inp['memory_emb'] = f(19, (N_NODES + 1, D)) * 0.1
    inp['edge_feat'] = f(20, (N_EDGES, ED))
    inp['W_g'] = f(21, (D, M)) * sc(D)
    inp['a'] = f(22, (3 * M,)) * sc(3 * M)
    inp['W_e'] = f(23, (ED, 4 * M)) * sc(ED)
    inp['W_uc'] = f(24, (D + 8 * M, D)) * sc(D + 8 * M)
    inp['W_un'] = f(25, (2 * D + 1, D)) * sc(2 * D + 1)
    inp['W_p'] = f(26, (8 * M, D)) * sc(8 * M)
    inp['W_1'] = f(27, (2 * D + 1, D)) * sc(2 * D + 1)
    inp['W_2'] = f(28, (D, 1)) * sc(D)
    return inp


def _phi(t, times):
    delta = (t[:, None] - times) / TOT
    p = 1.0 / (1.0 + delta)
    return jnp.where(jnp.isinf(delta), jnp.zeros_like(p), p)


def _forward(src_idxs, dst_idxs, edge_idxs, timestamps, flags, nbrs_src, ins_src, del_src, nbrs_dst, ins_dst, del_dst, upd_nbrs_src, upd_ins_src, upd_del_src, upd_nbrs_dst, upd_ins_dst, upd_del_dst, memory_emb, edge_feat, W_g, a, W_e, W_uc, W_un, W_p, W_1, W_2):
    msgs = []
    for idxs, nbrs, ins_t, del_t in ((src_idxs, nbrs_src, ins_src, del_src), (dst_idxs, nbrs_dst, ins_dst, del_dst)):
        pi = _phi(timestamps, ins_t)
        pd = _phi(timestamps, del_t)
        ne = memory_emb[nbrs]
        ins_msg = pi[..., None] * ne
        del_msg = -pd[..., None] * ne
        h_c = jnp.broadcast_to((memory_emb[idxs] @ W_g)[:, None, :], (nbrs.shape[0], nbrs.shape[1], W_g.shape[1]))
        h_ins = ins_msg @ W_g
        h_del = del_msg @ W_g
        h_in = jnp.concatenate([h_c, h_ins, h_del], axis=2)
        att = jax.nn.leaky_relu(h_in @ a, negative_slope=0.2)
        att = jax.nn.softmax(att, axis=1)
        msgs.append(jnp.concatenate([h_ins, h_del], axis=2) * att[..., None])
    h = jax.nn.relu(jnp.concatenate(msgs, axis=2).sum(axis=1))
    h_e = jax.nn.relu(edge_feat[edge_idxs] @ W_e)
    h = jnp.concatenate([h, h_e], axis=1)
    up_s = jnp.tanh(jnp.concatenate([memory_emb[src_idxs], h], axis=1) @ W_uc)
    up_d = jnp.tanh(jnp.concatenate([memory_emb[dst_idxs], h], axis=1) @ W_uc)
    mem = memory_emb.at[src_idxs].set(up_s)
    mem = mem.at[dst_idxs].set(up_d)
    for nbrs, ins_t, del_t in ((upd_nbrs_src, upd_ins_src, upd_del_src), (upd_nbrs_dst, upd_ins_dst, upd_del_dst)):
        pi = _phi(timestamps, ins_t)
        pd = _phi(timestamps, del_t)
        ne = mem[nbrs]
        ins_msg = pi[..., None] * ne
        del_msg = -pd[..., None] * ne
        h1 = h @ W_p
        h1b = jnp.broadcast_to(h1[:, None, :], ne.shape)
        score = (h1b * ins_msg).sum(axis=2) + (h1b * del_msg).sum(axis=2) + EPS
        att = jax.nn.softmax(score, axis=1)
        changed = h1b * att[..., None]
        cur = mem[nbrs]
        flag = jnp.broadcast_to(flags[:, None, None], (ne.shape[0], ne.shape[1], 1))
        x = jax.lax.stop_gradient(jnp.concatenate([changed, cur, flag], axis=2))
        x = jax.nn.relu(x @ W_1)
        probs = jax.nn.sigmoid(x @ W_2)
        nf = nbrs.reshape(-1)
        flags_rep = jnp.broadcast_to(flags[:, None], nbrs.shape).reshape(-1, 1)
        changed2 = jax.nn.relu(jnp.concatenate([mem[nf], changed.reshape(-1, changed.shape[2]), flags_rep], axis=1) @ W_un)
        policy_map = jax.lax.stop_gradient((probs >= 0.5).astype(jnp.float32))
        mask = jnp.broadcast_to(policy_map, changed.shape).reshape(-1, changed.shape[2])
        mem = mem.at[nf].set(mask * changed2 + (1.0 - mask) * mem[nf])
    return mem


def reference(src_idxs, dst_idxs, neg_src_idxs, neg_dst_idxs, edge_idxs, timestamps, flags, nbrs_src, ins_src, del_src, nbrs_dst, ins_dst, del_dst, upd_nbrs_src, upd_ins_src, upd_del_src, upd_nbrs_dst, upd_ins_dst, upd_del_dst, memory_emb, edge_feat, W_g, a, W_e, W_uc, W_un, W_p, W_1, W_2):
    return _forward(src_idxs, dst_idxs, edge_idxs, timestamps, flags, nbrs_src, ins_src, del_src, nbrs_dst, ins_dst, del_dst, upd_nbrs_src, upd_ins_src, upd_del_src, upd_nbrs_dst, upd_ins_dst, upd_del_dst, memory_emb, edge_feat, W_g, a, W_e, W_uc, W_un, W_p, W_1, W_2)

if __name__ == "__main__":
    import jax
    _d = setup_inputs()
    print(jax.jit(kernel)(*tuple(_d.values())))

</pallas_src>

<mosaic_0001>
#map = affine_map<(d0, d1) -> (0, 0)>
#map1 = affine_map<(d0, d1) -> (0, 0, 0)>
module attributes {stable_mosaic.version = 14 : i64} {
  func.func @k(%arg0: i32, %arg1: i32, %arg2: memref<100001x128xf32, #tpu.memory_space<hbm>>, %arg3: memref<32x66x128xi32, #tpu.memory_space<hbm>>, %arg4: memref<270336x128xf32, #tpu.memory_space<hbm>>, %arg5: memref<66x128xi32, #tpu.memory_space<vmem>>, %arg6: memref<128x128xf32, #tpu.memory_space<vmem>>, %arg7: memref<128x128xf32, #tpu.memory_space<vmem>>, %arg8: memref<!tpu.dma_semaphore, #tpu.memory_space<semaphore_mem>>, %arg9: memref<!tpu.dma_semaphore, #tpu.memory_space<semaphore_mem>>) attributes {dimension_semantics = [#tpu.dimension_semantics<core_parallel>, #tpu.dimension_semantics<subcore_parallel>], iteration_bounds = array<i64: 2, 16>, scalar_prefetch = 0 : i64, scratch_operands = 5 : i64, tpu.core_type = #tpu.core_type<sc_vector_subcore>, window_params = [{transform_indices = #map}, {transform_indices = #map1}, {transform_indices = #map}]} {
    %mul3A = arith.constant 2 : i32
    %mul3A_0 = arith.muli %arg1, %mul3A : i32
    %add3A = arith.addi %mul3A_0, %arg0 : i32
    %mul3A_1 = arith.constant 8448 : i32
    %mul3A_2 = arith.muli %add3A, %mul3A_1 : i32
    "tpu.region"() ({
      %run_scoped3A = tpu.sem_alloc : memref<!tpu.dma_semaphore, #tpu.memory_space<semaphore_mem>>
      %dma_start3A_14 = arith.constant 0 : i32
      %dma_start3A_15 = arith.constant 0 : i32
      %dma_start3A_16 = tpu.memref_slice %arg3[%add3A, %dma_start3A_14, %dma_start3A_15] : memref<32x66x128xi32, #tpu.memory_space<hbm>> -> memref<1x66x128xi32, #tpu.memory_space<hbm>>
      %dma_start3A_17 = tpu.memref_squeeze %dma_start3A_16 : memref<1x66x128xi32, #tpu.memory_space<hbm>> -> memref<66x128xi32, #tpu.memory_space<hbm>>
      %dma_start3A_18 = arith.constant 0 : i32
      %dma_start3A_19 = arith.constant 0 : i32
      %dma_start3A_20 = tpu.memref_slice %arg3[%add3A, %dma_start3A_18, %dma_start3A_19] : memref<32x66x128xi32, #tpu.memory_space<hbm>> -> memref<1x66x128xi32, #tpu.memory_space<hbm>>
      %dma_start3A_21 = tpu.memref_squeeze %dma_start3A_20 : memref<1x66x128xi32, #tpu.memory_space<hbm>> -> memref<66x128xi32, #tpu.memory_space<hbm>>
      tpu.enqueue_dma source(%dma_start3A_21 : memref<66x128xi32, #tpu.memory_space<hbm>>) target(%arg5 : memref<66x128xi32, #tpu.memory_space<vmem>>) target_semaphore(%run_scoped3A : memref<!tpu.dma_semaphore, #tpu.memory_space<semaphore_mem>>)
      %dma_wait3A = arith.constant 0 : i32
      %dma_wait3A_22 = arith.constant 0 : i32
      %dma_wait3A_23 = tpu.memref_slice %arg3[%add3A, %dma_wait3A, %dma_wait3A_22] : memref<32x66x128xi32, #tpu.memory_space<hbm>> -> memref<1x66x128xi32, #tpu.memory_space<hbm>>
      %dma_wait3A_24 = tpu.memref_squeeze %dma_wait3A_23 : memref<1x66x128xi32, #tpu.memory_space<hbm>> -> memref<66x128xi32, #tpu.memory_space<hbm>>
      %dma_wait3A_25 = arith.constant 0 : i32
      %dma_wait3A_26 = arith.constant 0 : i32
      %dma_wait3A_27 = tpu.memref_slice %arg3[%add3A, %dma_wait3A_25, %dma_wait3A_26] : memref<32x66x128xi32, #tpu.memory_space<hbm>> -> memref<1x66x128xi32, #tpu.memory_space<hbm>>
      %dma_wait3A_28 = tpu.memref_squeeze %dma_wait3A_27 : memref<1x66x128xi32, #tpu.memory_space<hbm>> -> memref<66x128xi32, #tpu.memory_space<hbm>>
      tpu.wait_dma2 semaphore(%run_scoped3A : memref<!tpu.dma_semaphore, #tpu.memory_space<semaphore_mem>>) src(%dma_wait3A_28 : memref<66x128xi32, #tpu.memory_space<hbm>>) dst(%arg5 : memref<66x128xi32, #tpu.memory_space<vmem>>)
      tpu.yield
    }) : () -> ()
    %dma_start3A = arith.constant 0 : i32
    %dma_start3A_3 = arith.constant 0 : i32
    %dma_start3A_4 = tpu.memref_slice %arg5[%dma_start3A, %dma_start3A_3] : memref<66x128xi32, #tpu.memory_space<vmem>> -> memref<1x128xi32, #tpu.memory_space<vmem>>
    %dma_start3A_5 = tpu.memref_squeeze %dma_start3A_4 : memref<1x128xi32, #tpu.memory_space<vmem>> -> memref<128xi32, #tpu.memory_space<vmem>>
    %dma_start3A_6 = arith.constant 0 : i32
    %dma_start3A_7 = arith.constant 0 : i32
    %dma_start3A_8 = tpu.memref_slice %arg2[%dma_start3A_6, %dma_start3A_7] : memref<100001x128xf32, #tpu.memory_space<hbm>> -> memref<100001x128xf32, #tpu.memory_space<hbm>>
    tpu.enqueue_indirect_dma source(%dma_start3A_8 : memref<100001x128xf32, #tpu.memory_space<hbm>>) target(%arg6 : memref<128x128xf32, #tpu.memory_space<vmem>>) offsets(%dma_start3A_5 : memref<128xi32, #tpu.memory_space<vmem>>) semaphore(%arg8 : memref<!tpu.dma_semaphore, #tpu.memory_space<semaphore_mem>>)
    %scan3A = arith.constant 0 : i32
    %scan3A_9 = arith.constant 0 : i32
    %scan3A_10 = arith.constant 33 : i32
    %scan3A_11 = arith.addi %scan3A_9, %scan3A_10 : i32
    %scan3A_12 = arith.constant 1 : i32
    scf.for %scan3A_14 = %scan3A_9 to %scan3A_11 step %scan3A_12  : i32 {
      %mul3A_15 = arith.constant 2 : i32
      %mul3A_16 = arith.muli %scan3A_14, %mul3A_15 : i32
      %add3A_17 = arith.constant 0 : i32
      %add3A_18 = arith.addi %mul3A_16, %add3A_17 : i32
      %lt3A = arith.constant 66 : i32
      %lt3A_19 = arith.cmpi slt, %add3A_18, %lt3A : i32
      %convert_element_type3A = arith.extui %lt3A_19 : i1 to i32
      %cond3A = arith.constant 0 : i32
      %cond3A_20 = arith.cmpi ne, %convert_element_type3A, %cond3A : i32
      scf.if %cond3A_20 {
        %add3A_30 = arith.constant 1 : i32
        %add3A_31 = arith.addi %add3A_18, %add3A_30 : i32
        %lt3A_32 = arith.constant 66 : i32
        %lt3A_33 = arith.cmpi slt, %add3A_31, %lt3A_32 : i32
        %convert_element_type3A_34 = arith.extui %lt3A_33 : i1 to i32
        %cond3A_35 = arith.constant 0 : i32
        %cond3A_36 = arith.cmpi ne, %convert_element_type3A_34, %cond3A_35 : i32
        scf.if %cond3A_36 {
          %dma_start3A_45 = arith.constant 0 : i32
          %dma_start3A_46 = tpu.memref_slice %arg5[%add3A_31, %dma_start3A_45] : memref<66x128xi32, #tpu.memory_space<vmem>> -> memref<1x128xi32, #tpu.memory_space<vmem>>
          %dma_start3A_47 = tpu.memref_squeeze %dma_start3A_46 : memref<1x128xi32, #tpu.memory_space<vmem>> -> memref<128xi32, #tpu.memory_space<vmem>>
          %dma_start3A_48 = arith.constant 0 : i32
          %dma_start3A_49 = arith.constant 0 : i32
          %dma_start3A_50 = tpu.memref_slice %arg2[%dma_start3A_48, %dma_start3A_49] : memref<100001x128xf32, #tpu.memory_space<hbm>> -> memref<100001x128xf32, #tpu.memory_space<hbm>>
          tpu.enqueue_indirect_dma source(%dma_start3A_50 : memref<100001x128xf32, #tpu.memory_space<hbm>>) target(%arg7 : memref<128x128xf32, #tpu.memory_space<vmem>>) offsets(%dma_start3A_47 : memref<128xi32, #tpu.memory_space<vmem>>) semaphore(%arg9 : memref<!tpu.dma_semaphore, #tpu.memory_space<semaphore_mem>>)
        } else {
        }
        %dma_wait3A = arith.constant 0 : i32
        %dma_wait3A_37 = tpu.memref_slice %arg5[%add3A_18, %dma_wait3A] : memref<66x128xi32, #tpu.memory_space<vmem>> -> memref<1x128xi32, #tpu.memory_space<vmem>>
        %dma_wait3A_38 = tpu.memref_squeeze %dma_wait3A_37 : memref<1x128xi32, #tpu.memory_space<vmem>> -> memref<128xi32, #tpu.memory_space<vmem>>
        %dma_wait3A_39 = arith.constant 0 : i32
        %dma_wait3A_40 = arith.constant 0 : i32
        %dma_wait3A_41 = tpu.memref_slice %arg2[%dma_wait3A_39, %dma_wait3A_40] : memref<100001x128xf32, #tpu.memory_space<hbm>> -> memref<100001x128xf32, #tpu.memory_space<hbm>>
        tpu.wait_indirect_dma semaphore(%arg8 : memref<!tpu.dma_semaphore, #tpu.memory_space<semaphore_mem>>) src(%dma_wait3A_41 : memref<100001x128xf32, #tpu.memory_space<hbm>>) dst(%arg6 : memref<128x128xf32, #tpu.memory_space<vmem>>)
        %mul3A_42 = arith.constant 128 : i32
        %mul3A_43 = arith.muli %add3A_18, %mul3A_42 : i32
        %add3A_44 = arith.addi %mul3A_2, %mul3A_43 : i32
        "tpu.region"() ({
          %run_scoped3A = tpu.sem_alloc : memref<!tpu.dma_semaphore, #tpu.memory_space<semaphore_mem>>
          %dma_start3A_45 = arith.constant 0 : i32
          %dma_start3A_46 = tpu.memref_slice %arg4[%add3A_44, %dma_start3A_45] : memref<270336x128xf32, #tpu.memory_space<hbm>> -> memref<128x128xf32, #tpu.memory_space<hbm>>
          %dma_start3A_47 = arith.constant 0 : i32
          %dma_start3A_48 = tpu.memref_slice %arg4[%add3A_44, %dma_start3A_47] : memref<270336x128xf32, #tpu.memory_space<hbm>> -> memref<128x128xf32, #tpu.memory_space<hbm>>
          tpu.enqueue_dma source(%arg6 : memref<128x128xf32, #tpu.memory_space<vmem>>) target(%dma_start3A_48 : memref<128x128xf32, #tpu.memory_space<hbm>>) target_semaphore(%run_scoped3A : memref<!tpu.dma_semaphore, #tpu.memory_space<semaphore_mem>>)
          %dma_wait3A_49 = arith.constant 0 : i32
          %dma_wait3A_50 = tpu.memref_slice %arg4[%add3A_44, %dma_wait3A_49] : memref<270336x128xf32, #tpu.memory_space<hbm>> -> memref<128x128xf32, #tpu.memory_space<hbm>>
          %dma_wait3A_51 = arith.constant 0 : i32
          %dma_wait3A_52 = tpu.memref_slice %arg4[%add3A_44, %dma_wait3A_51] : memref<270336x128xf32, #tpu.memory_space<hbm>> -> memref<128x128xf32, #tpu.memory_space<hbm>>
          tpu.wait_dma2 semaphore(%run_scoped3A : memref<!tpu.dma_semaphore, #tpu.memory_space<semaphore_mem>>) src(%arg6 : memref<128x128xf32, #tpu.memory_space<vmem>>) dst(%dma_wait3A_52 : memref<128x128xf32, #tpu.memory_space<hbm>>)
          tpu.yield
        }) : () -> ()
      } else {
      }
      %mul3A_21 = arith.constant 2 : i32
      %mul3A_22 = arith.muli %scan3A_14, %mul3A_21 : i32
      %add3A_23 = arith.constant 1 : i32
      %add3A_24 = arith.addi %mul3A_22, %add3A_23 : i32
      %lt3A_25 = arith.constant 66 : i32
      %lt3A_26 = arith.cmpi slt, %add3A_24, %lt3A_25 : i32
      %convert_element_type3A_27 = arith.extui %lt3A_26 : i1 to i32
      %cond3A_28 = arith.constant 0 : i32
      %cond3A_29 = arith.cmpi ne, %convert_element_type3A_27, %cond3A_28 : i32
      scf.if %cond3A_29 {
        %add3A_30 = arith.constant 1 : i32
        %add3A_31 = arith.addi %add3A_24, %add3A_30 : i32
        %lt3A_32 = arith.constant 66 : i32
        %lt3A_33 = arith.cmpi slt, %add3A_31, %lt3A_32 : i32
        %convert_element_type3A_34 = arith.extui %lt3A_33 : i1 to i32
        %cond3A_35 = arith.constant 0 : i32
        %cond3A_36 = arith.cmpi ne, %convert_element_type3A_34, %cond3A_35 : i32
        scf.if %cond3A_36 {
          %dma_start3A_45 = arith.constant 0 : i32
          %dma_start3A_46 = tpu.memref_slice %arg5[%add3A_31, %dma_start3A_45] : memref<66x128xi32, #tpu.memory_space<vmem>> -> memref<1x128xi32, #tpu.memory_space<vmem>>
          %dma_start3A_47 = tpu.memref_squeeze %dma_start3A_46 : memref<1x128xi32, #tpu.memory_space<vmem>> -> memref<128xi32, #tpu.memory_space<vmem>>
          %dma_start3A_48 = arith.constant 0 : i32
          %dma_start3A_49 = arith.constant 0 : i32
          %dma_start3A_50 = tpu.memref_slice %arg2[%dma_start3A_48, %dma_start3A_49] : memref<100001x128xf32, #tpu.memory_space<hbm>> -> memref<100001x128xf32, #tpu.memory_space<hbm>>
          tpu.enqueue_indirect_dma source(%dma_start3A_50 : memref<100001x128xf32, #tpu.memory_space<hbm>>) target(%arg6 : memref<128x128xf32, #tpu.memory_space<vmem>>) offsets(%dma_start3A_47 : memref<128xi32, #tpu.memory_space<vmem>>) semaphore(%arg8 : memref<!tpu.dma_semaphore, #tpu.memory_space<semaphore_mem>>)
        } else {
        }
        %dma_wait3A = arith.constant 0 : i32
        %dma_wait3A_37 = tpu.memref_slice %arg5[%add3A_24, %dma_wait3A] : memref<66x128xi32, #tpu.memory_space<vmem>> -> memref<1x128xi32, #tpu.memory_space<vmem>>
        %dma_wait3A_38 = tpu.memref_squeeze %dma_wait3A_37 : memref<1x128xi32, #tpu.memory_space<vmem>> -> memref<128xi32, #tpu.memory_space<vmem>>
        %dma_wait3A_39 = arith.constant 0 : i32
        %dma_wait3A_40 = arith.constant 0 : i32
        %dma_wait3A_41 = tpu.memref_slice %arg2[%dma_wait3A_39, %dma_wait3A_40] : memref<100001x128xf32, #tpu.memory_space<hbm>> -> memref<100001x128xf32, #tpu.memory_space<hbm>>
        tpu.wait_indirect_dma semaphore(%arg9 : memref<!tpu.dma_semaphore, #tpu.memory_space<semaphore_mem>>) src(%dma_wait3A_41 : memref<100001x128xf32, #tpu.memory_space<hbm>>) dst(%arg7 : memref<128x128xf32, #tpu.memory_space<vmem>>)
        %mul3A_42 = arith.constant 128 : i32
        %mul3A_43 = arith.muli %add3A_24, %mul3A_42 : i32
        %add3A_44 = arith.addi %mul3A_2, %mul3A_43 : i32
        "tpu.region"() ({
          %run_scoped3A = tpu.sem_alloc : memref<!tpu.dma_semaphore, #tpu.memory_space<semaphore_mem>>
          %dma_start3A_45 = arith.constant 0 : i32
          %dma_start3A_46 = tpu.memref_slice %arg4[%add3A_44, %dma_start3A_45] : memref<270336x128xf32, #tpu.memory_space<hbm>> -> memref<128x128xf32, #tpu.memory_space<hbm>>
          %dma_start3A_47 = arith.constant 0 : i32
          %dma_start3A_48 = tpu.memref_slice %arg4[%add3A_44, %dma_start3A_47] : memref<270336x128xf32, #tpu.memory_space<hbm>> -> memref<128x128xf32, #tpu.memory_space<hbm>>
          tpu.enqueue_dma source(%arg7 : memref<128x128xf32, #tpu.memory_space<vmem>>) target(%dma_start3A_48 : memref<128x128xf32, #tpu.memory_space<hbm>>) target_semaphore(%run_scoped3A : memref<!tpu.dma_semaphore, #tpu.memory_space<semaphore_mem>>)
          %dma_wait3A_49 = arith.constant 0 : i32
          %dma_wait3A_50 = tpu.memref_slice %arg4[%add3A_44, %dma_wait3A_49] : memref<270336x128xf32, #tpu.memory_space<hbm>> -> memref<128x128xf32, #tpu.memory_space<hbm>>
          %dma_wait3A_51 = arith.constant 0 : i32
          %dma_wait3A_52 = tpu.memref_slice %arg4[%add3A_44, %dma_wait3A_51] : memref<270336x128xf32, #tpu.memory_space<hbm>> -> memref<128x128xf32, #tpu.memory_space<hbm>>
          tpu.wait_dma2 semaphore(%run_scoped3A : memref<!tpu.dma_semaphore, #tpu.memory_space<semaphore_mem>>) src(%arg7 : memref<128x128xf32, #tpu.memory_space<vmem>>) dst(%dma_wait3A_52 : memref<128x128xf32, #tpu.memory_space<hbm>>)
          tpu.yield
        }) : () -> ()
      } else {
      }
    }
    %scan3A_13 = arith.constant 33 : i32
    return
  }
}

</mosaic_0001>

<sc_bundles>
// kernel: _sc_gather.3.cloned.1.call-start
scs
__scs_entry_jumppad:
0x0: {  	(pc) =	sbr.rel $0x88, $3  }
0x1: {  	(tag) =	ssettag $0x0;
	lr =	simm.s32 $0x1  }
0x2: {  	[smem:$0x3F9F] =	sst lr;
	_ =	strace $0xD0000000  }
0x3: {  	_ = 	snop  }
0x4: {  	_ = 	snop  }
0x5: {  	_ = 	snop  }
0x6: {  	_ = 	snop  }
0x7: {  	_ = 	snop  }
__scs_overlays_trampoline_lowered:
0x8: {  	[smem:$0x3FAE] =	sst s0  }
0x9: {  	[smem:$0x3FAF] =	sst s1  }
0xa: {  	[smem:$0x3FB0] =	sst s2  }
0xb: {  	[smem:$0x3FB1] =	sst s3  }
0xc: {  	[smem:$0x3FB2] =	sst s4  }
0xd: {  	[smem:$0x3FB3] =	sst s5  }
0xe: {  	[smem:$0x3FB4] =	sst s6  }
0xf: {  	[smem:$0x3FB5] =	sst s7  }
0x10: {  	[smem:$0x3FB6] =	sst s8  }
0x11: {  	[smem:$0x3FB7] =	sst s9;
	s0 =	simm.s32 @!p0 $0x0  }
0x12: {  	s1 =	sld [smem:$0x3F9D];
	s0 =	simm.s32 @p0 $0x1  }
0x13: {  	[smem:$0x3FB8] =	sst s0;
	s0 =	simm.s32 @!p1 $0x0  }
0x14: {  	s2 =	sld [smem:$0x3F9C];
	s0 =	simm.s32 @p1 $0x1  }
0x15: {  	[smem:$0x3FB9] =	sst s0;
	s0 =	simm.s32 @!p2 $0x0  }
0x16: {  	s3 =	sld [smem:$0x3FDB];
	s0 =	simm.s32 @p2 $0x1  }
0x17: {  	s4 =	simm.s32 $0x1BF5;
	[smem:$0x3FBB] =	sst s0  }
0x18: {  	s0 =	sld [smem:$0x3F9E];
	_ =	swait.ge [sflag:s4], $0x0  }
0x19: {  	s7 =	sld [smem:$0x3F9F]  }
0x1a: {  	s8 =	sadd.s32 $0xFFFFE003, lr  }
0x1b: {  	s9 =	sadd.s32 $0xFFFFFEF7, lr;
	s5 =	simm.s32 $0xFFFFFFFF;
	p2 =	slt.u32 s8, $0xFFFFF086  }
0x1c: {  	p1 =	slt.u32 s9, $0xF7A;
	s5 =	simm.s32 @!p2 $0x0  }
0x1d: {  	s5 =	simm.s32 @p1 $0x1;
	p0 =	seq.s32 s7, s2  }
0x1e: {  	s7 =	smul.u32 @!p0 $0xF7A, s2;
	p2 =	seq.s32 @!p0 s5, $0x0  }
0x1f: {  	s9 =	smul.u32 $0xF7A, s1;
	s8 =	simm.s32 @!p0 $0x1BF5;
	p2 =	por !p2, p0  }
0x20: {  	[sflag:s8] =	ssyncset.s32 @!p0 $0xFFFFF086;
	s6 =	sadd.s32 @!p0 s3, s7;
	s7 =	simm.s32 @!p0 $0x108  }
0x21: {  	s3 =	sadd.s32 s3, s9;
	s6 =	sadd.s32 @!p0 $0x88, s6;
	s7 =	simm.s32 @p2 $0x1082  }
0x22: {  	[simem:s7], [sflag:s8] =	dma.local @!p0 [hbm:s6], $0xF7A  }
0x23: {  	s9 =	sor.u32 $0xD0000000, s2;
	s6 =	simm.s32 $0x108;
	_ =	swait.ge @!p0 [sflag:s8], $0x0  }
0x24: {  	s3 =	sadd.s32 $0x88, s3;
	s6 =	simm.s32 @!p1 $0x1082;
	[sflag:s4] =	ssyncset.s32 $0xFFFFF086  }
0x25: {  	[simem:s6], [sflag:s4] =	dma.local [hbm:s3], $0xF7A  }
0x26: {  	[smem:$0x3F9F] =	sst s1;
	(tag) =	ssettag s2;
	_ =	strace s9  }
0x27: {  	s1 =	sld [smem:$0x3FAF]  }
0x28: {  	s2 =	sld [smem:$0x3FB0]  }
0x29: {  	s4 =	sld [smem:$0x3FB2]  }
0x2a: {  	p0 =	seq.s32 s5, $0x0;
	s5 =	sld [smem:$0x3FB3]  }
0x2b: {  	s6 =	sld [smem:$0x3FB4]  }
0x2c: {  	s7 =	sld [smem:$0x3FB5]  }
0x2d: {  	s3 =	simm.s32 $0x108;
	s8 =	sld [smem:$0x3FB6]  }
0x2e: {  	s3 =	simm.s32 @!p0 $0x1082;
	s9 =	sld [smem:$0x3FB7]  }
0x2f: {  	lr =	sadd.s32 s0, s3;
	s0 =	sld [smem:$0x3FAE]  }
0x30: {  	s3 =	sld [smem:$0x3FB1]  }
0x31: {  	[smem:$0x3FBA] =	sst s10  }
0x32: {  	s10 =	sld [smem:$0x3FB8];
	_ =	sdelay $0x3  }
0x33: {  	p0 =	seq.s32 s10, $0x1;
	s10 =	sld [smem:$0x3FBA];
	_ =	sdelay $0x3  }
0x34: {  	[smem:$0x3FBA] =	sst s10  }
0x35: {  	s10 =	sld [smem:$0x3FB9];
	_ =	sdelay $0x3  }
0x36: {  	p1 =	seq.s32 s10, $0x1;
	s10 =	sld [smem:$0x3FBA];
	_ =	sdelay $0x3  }
0x37: {  	[smem:$0x3FBA] =	sst s10  }
0x38: {  	s10 =	sld [smem:$0x3FBB]  }
0x39: {  	_ = 	snop;
	(pc) =	sbr.ind lr, $3  }
0x3a: {  	_ = 	snop  }
0x3b: {  	_ = 	snop  }
0x3c: {  	p2 =	seq.s32 s10, $0x1;
	s10 =	sld [smem:$0x3FBA]  }
0x3d: {  	_ =	shalt  }
0x3e: {  	_ =	shalt  }
0x3f: {  	_ =	shalt  }
0x40: {  	_ =	shalt  }
0x41: {  	_ =	shalt  }
0x42: {  	_ =	shalt  }
0x43: {  	_ =	shalt  }
0x44: {  	_ =	shalt  }
0x45: {  	_ =	shalt  }
0x46: {  	_ =	shalt  }
0x47: {  	_ =	shalt  }
0x48: {  	_ =	shalt  }
0x49: {  	_ =	shalt  }
0x4a: {  	_ =	shalt  }
0x4b: {  	_ =	shalt  }
0x4c: {  	_ =	shalt  }
0x4d: {  	_ =	shalt  }
0x4e: {  	_ =	shalt  }
0x4f: {  	_ =	shalt  }
0x50: {  	_ =	shalt  }
0x51: {  	_ =	shalt  }
0x52: {  	_ =	shalt  }
0x53: {  	_ =	shalt  }
0x54: {  	_ =	shalt  }
0x55: {  	_ =	shalt  }
0x56: {  	_ =	shalt  }
0x57: {  	_ =	shalt  }
0x58: {  	_ =	shalt  }
0x59: {  	_ =	shalt  }
0x5a: {  	_ =	shalt  }
0x5b: {  	_ =	shalt  }
0x5c: {  	_ =	shalt  }
0x5d: {  	_ =	shalt  }
0x5e: {  	_ =	shalt  }
0x5f: {  	_ =	shalt  }
0x60: {  	_ =	shalt  }
0x61: {  	_ =	shalt  }
0x62: {  	_ =	shalt  }
0x63: {  	_ =	shalt  }
0x64: {  	_ =	shalt  }
0x65: {  	_ =	shalt  }
0x66: {  	_ =	shalt  }
0x67: {  	_ =	shalt  }
0x68: {  	_ =	shalt  }
0x69: {  	_ =	shalt  }
0x6a: {  	_ =	shalt  }
0x6b: {  	_ =	shalt  }
0x6c: {  	_ =	shalt  }
0x6d: {  	_ =	shalt  }
0x6e: {  	_ =	shalt  }
0x6f: {  	_ =	shalt  }
0x70: {  	_ =	shalt  }
0x71: {  	_ =	shalt  }
0x72: {  	_ =	shalt  }
0x73: {  	_ =	shalt  }
0x74: {  	_ =	shalt  }
0x75: {  	_ =	shalt  }
0x76: {  	_ =	shalt  }
0x77: {  	_ =	shalt  }
0x78: {  	_ =	shalt  }
0x79: {  	_ =	shalt  }
0x7a: {  	_ =	shalt  }
0x7b: {  	_ =	shalt  }
0x7c: {  	_ =	shalt  }
0x7d: {  	_ =	shalt  }
0x7e: {  	_ =	shalt  }
0x7f: {  	_ =	shalt  }
0x80: {  	_ =	shalt  }
0x81: {  	_ =	shalt  }
0x82: {  	_ =	shalt  }
0x83: {  	_ =	shalt  }
0x84: {  	_ =	shalt  }
0x85: {  	_ =	shalt  }
0x86: {  	_ =	shalt  }
0x87: {  	_ =	shalt  }
.Lfunc_end0:
.L_simem_size_0:
called_computation_lowered:
.L_overlay_start_0:
0x88: {  	s2 =	sld [smem:$0x3FD9]  }
0x89: {  	s3 =	sld [smem:$0x3FFE];
	_ =	sdelay $0x1  }
0x8a: {  	s1 =	srdreg.scid  }
0x8b: {  	s0 =	sand.u32 $0x1, s1  }
0x8c: {  	s17 =	sshll.u32 s0, $0xA;
	s2 =	sadd.s32 s3, s2  }
0x8d: {  	s2 =	sadd.s32 s2, s17  }
0x8e: {  	[smem:$0x3FC6] =	sst s2  }
0x8f: {  	_ = 	snop  }
0x90: {  	s2 =	sld [smem:$0x3FC9]  }
0x91: {  	s18 =	sld [smem:$0x3FD0];
	(tm) =	ssettm $0x1  }
0x92: {  	s4 =	sld [smem:$0x3FFB];
	_ =	sdelay $0x3  }
0x93: {  	_ =	strace s4  }
0x94: {  	s4 =	sld [smem:$0x3FFC];
	_ =	sdelay $0x3  }
0x95: {  	_ =	strace s4  }
0x96: {  	s4 =	sld [smem:$0x3FFD];
	_ =	sdelay $0x3  }
0x97: {  	_ =	strace s4  }
0x98: {  	_ =	strace $0x8FFFFFFF  }
0x99: {  	s19 =	sld [smem:$0x3FDB];
	_ =	sdelay $0x1  }
0x9a: {  	s5 =	simm.s32 $_scs_section_size  }
0x9b: {  	s6 =	simm.s32 $_size__tile_overlayer_lowered;
	s7 =	simm.s32 $_tile_overlayer_lowered  }
0x9c: {  	s22 =	simm.s32 $0x1BFF;
	s21 =	sshll.u32 s7, $0x1;
	s4 =	sadd.s32 s5, s19  }
0x9d: {  	s8 =	simm.s32 $0x0;
	s20 =	sshll.u32 s6, $0x1;
	s6 =	sadd.s32 s21, s4  }
0x9e: {  	[timem:s8], [sflag:s22] =	dma.local [hbm:s6], s20  }
0x9f: {  	_ =	swait.ge [sflag:s22], s20  }
0xa0: {  	s5 =	ssub.s32 $0x0, s20;
	[sflag:s22] =	ssyncset.done $0x0  }
0xa1: {  	[sflag:s22] =	ssyncadd.s32 s5;
	_ =	sdelay $0x1  }
0xa2: {  	s23 =	simm.s32 $0x1B8B  }
0xa3: {  	_ =	swait.ge [sflag:s23], $0x1  }
0xa4: {  	[sflag:s23] =	ssyncset.done $0x0  }
0xa5: {  	s25 =	simm.s32 $0x1B8E;
	s24 =	sld [smem:$0x3FFE];
	[sflag:s23] =	ssyncadd.s32 $0xFFFFFFFF  }
0xa6: {  	s26 =	simm.s32 $execute0_lowered;
	[smem:$0x3FD2] =	sst s25  }
0xa7: {  	s6 =	sshll.u32 s26, $0x1;
	_ =	strace $0x80000046;
	[dreg:$0x1] =	wrdreg $0xFFFFFFFF  }
0xa8: {  	s28 =	simm.s32 $_size_execute0_lowered;
	s4 =	sadd.s32 s4, s6;
	[dreg:$0x0] =	wrdreg $0x0  }
0xa9: {  	s6 =	sshll.u32 s28, $0x1;
	[dreg:$0x2] =	wrdreg s4  }
0xaa: {  	[dreg:$0x3] =	wrdreg s6  }
0xab: {  	[dreg:$0x4] =	wrdreg $0xC0  }
0xac: {  	_ =	task [dreg:s8], $0x5FFFF  }
0xad: {  	[dreg:$0x1] =	wrdreg $0xFFFFFFFF  }
0xae: {  	[dreg:$0x0] =	wrdreg $0x60  }
0xaf: {  	[dreg:$0x2] =	wrdreg s2  }
0xb0: {  	[dreg:$0x3] =	wrdreg s24  }
0xb1: {  	[dreg:$0x4] =	wrdreg s18  }
0xb2: {  	[dreg:$0x5] =	wrdreg $0x9  }
0xb3: {  	_ =	task.clear_ibuf [dreg:s8], $0x6FFFF;
	_ =	strace $0x90000046  }
0xb4: {  	s29 =	simm.s32 $0x9;
	_ =	strace $0x80000048  }
0xb5: {  	_ =	swait.ge [sflag:s29], $0x1  }
0xb6: {  	[sflag:s29] =	ssyncadd.s32 $0xFFFFFFFF  }
0xb7: {  	_ =	strace $0x90000048  }
0xb8: {  	_ =	sfence  }
0xb9: {  	s30 =	sld [smem:$0x0];
	_ =	sdelay $0x2  }
0xba: {  	s31 =	sshll.u32 s1, $0xD;
	s1 =	sshrl.u32 s1, $0x2  }
0xbb: {  	s3 =	sand.u32 $0x4000, s31;
	s1 =	sadd.s32 s1, s30  }
0xbc: {  	s0 =	sor.u32 s3, s0;
	s1 =	sshll.u32 s1, $0x11  }
0xbd: {  	s0 =	sor.u32 s1, s0  }
0xbe: {  	s0 =	sadd.s32 $0x8F2B, s0  }
0xbf: {  	[sflag:s0] =	ssyncadd.remote.s32 $0x1  }
0xc0: {  	_ =	sfence.sel $0xFFFF  }
0xc1: {  	[dreg:$0x0] =	wrdreg $0xFFFFFFFF;
	(pc) =	sbr.abs _section_cstart, $3  }
0xc2: {  	[dreg:$0x1] =	wrdreg $0xFFFFFFFF  }
0xc3: {  	_ =	task.clear_ibuf [dreg:s8], $0x2FFFF;
	_ =	strace $0x9FFFFFFF  }
0xc4: {  	(tm) =	ssettm $0x7FFFFFFF  }
0xc5: {  	_ =	shalt  }
tec
execute0_lowered:
.L_overlay_start_1:
0x0: {  	(tag) =	ssettag $0x1  }
0x1: {  	s1 =	rddreg [dreg:$0x0]  }
0x2: {  	s2 =	srdreg.scid;
	s5 =	rddreg [dreg:$0x1]  }
0x3: {  	s0 =	stileid.u32;
	s9 =	rddreg [dreg:$0x2]  }
0x4: {  	s13 =	simm.s32 $0x6400;
	s14 =	simm.s32 $0x1;
	s15 =	simm.s32 $0x4  }
0x5: {  	s4 =	sand.u32 $0x1, s2;
	s24 =	sshll.u32 s0, $0x1;
	s10 =	smul.u32 $0x210000, s0  }
0x6: {  	s16 =	simm.s32 $0x2;
	s3 =	sor.u32 s4, s24;
	s12 =	smul.u32 $0x108000, s4  }
0x7: {  	s17 =	simm.s32 $0x2080;
	s2 =	rddreg [dreg:$0x3];
	s6 =	smul.u32 $0x480, s3  }
0x8: {  	s8 =	ssub.s32 $0x2, s4;
	s7 =	smul.u32 $0x108000, s3;
	s3 =	simm.s32 $0x0  }
0x9: {  	s18 =	simm.s32 $0x0;
	s11 =	sshrl.u32 s8, $0x1;
	[smem:$0x7FF] =	sst s3  }
0xa: {  	s26 =	ssub.s32 s8, s11;
	s29 =	sadd.s32 s12, s10;
	s11 =	simm.s32 $0x80  }
0xb: {  	s12 =	simm.s32 $0x2400;
	_ =	strace $0x80000047;
	s25 =	sadd.s32 s6, s5  }
0xc: {  	s28 =	sshrl.u32 s7, $0x3;
	s5 =	smax.u32 s26, $0x1;
	s10 =	sor.u32 $0x4000, s29  }
0xd: {  	s31 =	sshrl.u32 s29, $0x3;
	s4 =	sadd.s32 $0x400, s25;
	s30 =	sadd.s32 s9, s28  }
0xe: {  	s10 =	sshrl.u32 s10, $0x3;
	s6 =	sadd.s32 $0x20000, s30;
	s7 =	sadd.s32 $0x20800, s30  }
0xf: {  	s8 =	sadd.s32 s10, s9;
	s9 =	sadd.s32 s31, s9;
	s10 =	simm.s32 $0x3  }
.LBB2_1:
0x10: {  	[tilespmem:s3], [sflag:$0x3] =	stream.linear.gather [hbm4b:s4+s3], $0x2100, $0x38;
	[tilespmem:$0xA400] =	vst v63  }
0x11: {  	_ =	swait.ge [sflag:s10], $0x2100  }
0x12: {  	[sflag:s10] =	ssyncset.done $0x0  }
0x13: {  	[sflag:s10] =	ssyncadd.s32 $0xFFFFDF00  }
0x14: {  	[tilespmem:s12], [sflag:$0x1] =	stream.indirect.gather [hbm4b:s1+s11], $0x80, s3, s11, $0xb8;
	[tilespmem:$0xA400] =	vst v63  }
0x15: {  	s19 =	simm.s32 $0x80  }
0x16: {  	[tilespmem:s13], [sflag:$0x2] =	stream.indirect.gather [hbm4b:s1+s11], $0x80, s19, s11, $0xb8;
	[tilespmem:$0xA400] =	vst v63  }
0x17: {  	_ =	swait.ge [sflag:s14], $0x4000  }
0x18: {  	[sflag:s14] =	ssyncset.done $0x0  }
0x19: {  	s29 =	sadd.s32 $0x0, s9;
	[sflag:s14] =	ssyncadd.s32 $0xFFFFC000  }
0x1a: {  	[hbm4b:s29+s3] =	stream.linear.scatter [tilespmem:s12], [sflag:$0x4], $0x4000, $0x38;
	[tilespmem:$0xA400] =	vst v63  }
0x1b: {  	_ =	swait.ge [sflag:s15], $0x4000  }
0x1c: {  	[sflag:s15] =	ssyncset.done $0x0  }
0x1d: {  	s30 =	simm.s32 $0x100;
	[sflag:s15] =	ssyncadd.s32 $0xFFFFC000  }
0x1e: {  	[tilespmem:s12], [sflag:$0x1] =	stream.indirect.gather [hbm4b:s1+s11], $0x80, s30, s11, $0xb8;
	[tilespmem:$0xA400] =	vst v63  }
0x1f: {  	_ =	swait.ge [sflag:s16], $0x4000  }
0x20: {  	[sflag:s16] =	ssyncset.done $0x0  }
0x21: {  	s31 =	sadd.s32 $0x0, s8;
	[sflag:s16] =	ssyncadd.s32 $0xFFFFC000  }
0x22: {  	[hbm4b:s31+s3] =	stream.linear.scatter [tilespmem:s13], [sflag:$0x3], $0x4000, $0x38;
	[tilespmem:$0xA400] =	vst v63  }
0x23: {  	s21 =	simm.s32 $0x2000;
	_ =	swait.ge [sflag:s10], $0x4000  }
0x24: {  	s20 =	simm.s32 $0x200;
	s19 =	simm.s32 $0x1000;
	[sflag:s10] =	ssyncset.done $0x0  }
.LBB2_2:
0x25: {  	p0 =	sne.s32 s21, $0x1F000;
	s22 =	sadd.s32 $0xFFFFFF80, s20;
	[sflag:s10] =	ssyncadd.s32 $0xFFFFC000  }
0x26: {  	[tilespmem:s13], [sflag:$0x2] =	stream.indirect.gather [hbm4b:s1+s11], $0x80, s22, s11, $0xb8;
	[tilespmem:$0xA400] =	vst v63  }
0x27: {  	s22 =	smov.u32 s21;
	s21 =	sadd.s32 $0x1000, s21;
	_ =	swait.ge [sflag:s14], $0x4000  }
0x28: {  	[sflag:s14] =	ssyncset.done $0x0  }
0x29: {  	s23 =	sadd.s32 s19, s9;
	[sflag:s14] =	ssyncadd.s32 $0xFFFFC000  }
0x2a: {  	[hbm4b:s23+s3] =	stream.linear.scatter [tilespmem:s12], [sflag:$0x4], $0x4000, $0x38;
	[tilespmem:$0xA400] =	vst v63  }
0x2b: {  	_ =	swait.ge [sflag:s15], $0x4000  }
0x2c: {  	[sflag:s15] =	ssyncset.done $0x0  }
0x2d: {  	[sflag:s15] =	ssyncadd.s32 $0xFFFFC000  }
0x2e: {  	[tilespmem:s12], [sflag:$0x1] =	stream.indirect.gather [hbm4b:s1+s11], $0x80, s20, s11, $0xb8;
	[tilespmem:$0xA400] =	vst v63  }
0x2f: {  	_ =	swait.ge [sflag:s16], $0x4000  }
.Ltmp0:
0x30: {  	[sflag:s16] =	ssyncset.done $0x0;
	(pc) =	sbr.rel @p0 .LBB2_2-.Ltmp0, $4  }
0x31: {  	s23 =	sadd.s32 s19, s8;
	s19 =	smov.u32 s22;
	[sflag:s16] =	ssyncadd.s32 $0xFFFFC000  }
0x32: {  	[hbm4b:s23+s3] =	stream.linear.scatter [tilespmem:s13], [sflag:$0x3], $0x4000, $0x38;
	[tilespmem:$0xA400] =	vst v63  }
0x33: {  	_ =	swait.ge [sflag:s10], $0x4000  }
0x34: {  	s20 =	sadd.s32 $0x100, s20;
	[sflag:s10] =	ssyncset.done $0x0  }
0x35: {  	s21 =	sadd.s32 $0xFFFFFF80, s20;
	[sflag:s10] =	ssyncadd.s32 $0xFFFFC000  }
0x36: {  	[tilespmem:s13], [sflag:$0x2] =	stream.indirect.gather [hbm4b:s1+s11], $0x80, s21, s11, $0xb8;
	[tilespmem:$0xA400] =	vst v63  }
0x37: {  	_ =	swait.ge [sflag:s14], $0x4000  }
0x38: {  	[sflag:s14] =	ssyncset.done $0x0  }
0x39: {  	s30 =	sadd.s32 s19, s9;
	[sflag:s14] =	ssyncadd.s32 $0xFFFFC000  }
0x3a: {  	[hbm4b:s30+s3] =	stream.linear.scatter [tilespmem:s12], [sflag:$0x4], $0x4000, $0x38;
	[tilespmem:$0xA400] =	vst v63  }
0x3b: {  	_ =	swait.ge [sflag:s15], $0x4000  }
0x3c: {  	[sflag:s15] =	ssyncset.done $0x0  }
0x3d: {  	[sflag:s15] =	ssyncadd.s32 $0xFFFFC000  }
0x3e: {  	[tilespmem:s12], [sflag:$0x1] =	stream.indirect.gather [hbm4b:s1+s11], $0x80, s20, s11, $0xb8;
	[tilespmem:$0xA400] =	vst v63  }
0x3f: {  	_ =	swait.ge [sflag:s16], $0x4000  }
0x40: {  	[sflag:s16] =	ssyncset.done $0x0  }
0x41: {  	s31 =	sadd.s32 s19, s8;
	[sflag:s16] =	ssyncadd.s32 $0xFFFFC000  }
0x42: {  	[hbm4b:s31+s3] =	stream.linear.scatter [tilespmem:s13], [sflag:$0x3], $0x4000, $0x38;
	[tilespmem:$0xA400] =	vst v63  }
0x43: {  	_ =	swait.ge [sflag:s10], $0x4000  }
0x44: {  	[sflag:s10] =	ssyncset.done $0x0  }
0x45: {  	[sflag:s10] =	ssyncadd.s32 $0xFFFFC000  }
0x46: {  	[tilespmem:s13], [sflag:$0x2] =	stream.indirect.gather [hbm4b:s1+s11], $0x80, s17, s11, $0xb8;
	[tilespmem:$0xA400] =	vst v63  }
0x47: {  	_ =	swait.ge [sflag:s14], $0x4000  }
0x48: {  	[sflag:s14] =	ssyncset.done $0x0  }
0x49: {  	[sflag:s14] =	ssyncadd.s32 $0xFFFFC000  }
0x4a: {  	[hbm4b:s6+s3] =	stream.linear.scatter [tilespmem:s12], [sflag:$0x4], $0x4000, $0x38;
	[tilespmem:$0xA400] =	vst v63  }
0x4b: {  	_ =	swait.ge [sflag:s15], $0x4000  }
0x4c: {  	[sflag:s15] =	ssyncset.done $0x0  }
0x4d: {  	[sflag:s15] =	ssyncadd.s32 $0xFFFFC000  }
0x4e: {  	s18 =	sadd.s32 $0x1, s18;
	_ =	swait.ge [sflag:s16], $0x4000  }
0x4f: {  	p0 =	sne.s32 s18, s5;
	[sflag:s16] =	ssyncset.done $0x0  }
.Ltmp1:
0x50: {  	[sflag:s16] =	ssyncadd.s32 $0xFFFFC000;
	(pc) =	sbr.rel @p0 .LBB2_1-.Ltmp1, $4  }
0x51: {  	[hbm4b:s7+s3] =	stream.linear.scatter [tilespmem:s13], [sflag:$0x3], $0x4000, $0x38;
	[tilespmem:$0xA400] =	vst v63  }
0x52: {  	_ =	swait.ge [sflag:s10], $0x4000  }
0x53: {  	[sflag:s10] =	ssyncset.done $0x0  }
0x54: {  	[sflag:s10] =	ssyncadd.s32 $0xFFFFC000  }
0x55: {  	_ =	sfence.sel $0x180000  }
0x56: {  	[bflag:$0x0] =	sbarrier.arrive $0xFFFF  }
0x57: {  	p0 =	sne.s32 s0, $0x0;
	_ =	strace $0x90000047  }
0x58: {  	s0 =	sadd.s32 @!p0 $0x100000, s2;
	[bflag:$0x2] =	sbarrier.arrive $0xFFFF  }
0x59: {  	[sflag:s0] =	ssyncadd.tile.s32 @!p0 $0x1;
	_ =	shalt  }
.Lfunc_end2:
_tile_overlayer_lowered:
.L_overlay_start_2:
0x5a: {  	(tag) =	ssettag $0x2  }
0x5b: {  	s0 =	rddreg [dreg:$0x0];
	s2 =	stileid.u32  }
0x5c: {  	s1 =	rddreg [dreg:$0x1];
	p0 =	sne.s32 s2, $0x0  }
0x5d: {  	s3 =	rddreg [dreg:$0x2];
	[bflag:$0x3] =	sbarrier.arrive $0xFFFF;
	s2 =	simm.s32 @!p0 $0x1C03  }
0x5e: {  	[timem:s3], [sflag:s2] =	dma.local @!p0 [hbm:s0], s1  }
0x5f: {  	s0 =	simm.s32 @!p0 $0x3  }
0x60: {  	_ =	swait.ge @!p0 [sflag:s0], s1  }
0x61: {  	s1 =	ssub.s32 @!p0 $0x0, s1;
	[sflag:s0] =	ssyncset.done @!p0 $0x0  }
0x62: {  	[sflag:s0] =	ssyncadd.s32 @!p0 s1  }
0x63: {  	[bflag:$0x3] =	sbarrier.arrive $0xFFFF  }
0x64: {  	_ =	shalt  }

</sc_bundles>
